<compile_context>
chip_gen: v7x
topology: tpu7x:2x2x1
jax: 0.10.2.dev20260603
libtpu: 0.0.44.dev20260713+nightly
codegen_flags: <defaults>
</compile_context>

<pallas_src>
import functools

import jax
import jax.numpy as jnp
from jax import lax
from jax.experimental import pallas as pl
from jax.experimental.pallas import tpu as pltpu
from jax.experimental.pallas import tpu_sc as plsc

N = 10000
E = 160000
D = 256
H = 512

LANES = 128
LB = 128
NPAD = 10240
ROWS = NPAD // LANES
QB = H // LB
BLK = 1024

NC = 2
NS = 16
CHE = 79
EPAD = NS * CHE * LANES
SLICE = NPAD // NS



def _mlp_body(x_ref, w1_ref, b1_ref, h_ref):
    h = jnp.dot(x_ref[...], w1_ref[...], preferred_element_type=jnp.float32)
    h = jnp.maximum(h + b1_ref[...], 0.0)
    for q in range(QB):
        h_ref[q] = h[:, q * LB:(q + 1) * LB]


def _hidden(x, W1, b1):
    return pl.pallas_call(
        _mlp_body,
        grid=(NPAD // BLK,),
        in_specs=[
            pl.BlockSpec((BLK, D), lambda i: (i, 0)),
            pl.BlockSpec((D, H), lambda i: (0, 0)),
            pl.BlockSpec((1, H), lambda i: (0, 0)),
        ],
        out_specs=pl.BlockSpec((QB, BLK, LB), lambda i: (0, i, 0)),
        out_shape=jax.ShapeDtypeStruct((QB, NPAD, LB), jnp.float32),
    )(x, W1, b1.reshape(1, H))



def _segsum_body(h_hbm, src_hbm, dst_hbm, zeros_hbm, out_hbm,
                 src_v, dst_v, buf, acc_sh, sem):
    cid = lax.axis_index("c")
    sid = lax.axis_index("s")

    pltpu.sync_copy(src_hbm.at[sid], src_v)
    pltpu.sync_copy(dst_hbm.at[sid], dst_v)

    for k in range(QB // NC):
        q = cid * (QB // NC) + k

        pltpu.sync_copy(zeros_hbm,
                        acc_sh.at[pl.ds(sid * SLICE, SLICE)])
        plsc.subcore_barrier()

        def step(j, carry):
            pltpu.async_copy(
                h_hbm.at[q].at[src_v.at[j]], buf, sem).wait()
            pltpu.sync_copy(buf, acc_sh.at[dst_v.at[j]], add=True)
            return carry

        lax.fori_loop(0, CHE, step, 0)
        plsc.subcore_barrier()

        pltpu.sync_copy(acc_sh.at[pl.ds(sid * SLICE, SLICE)],
                        out_hbm.at[q, pl.ds(sid * SLICE, SLICE)])
        plsc.subcore_barrier()


@functools.cache
def _segsum():
    return pl.kernel(
        _segsum_body,
        out_type=jax.ShapeDtypeStruct((QB, NPAD, LB), jnp.float32),
        mesh=plsc.VectorSubcoreMesh(core_axis_name="c", subcore_axis_name="s",
                                    num_cores=NC, num_subcores=NS),
        scratch_types=(
            [pltpu.VMEM((CHE, LANES), jnp.int32),
             pltpu.VMEM((CHE, LANES), jnp.int32)]
            + [pltpu.VMEM((LANES, LB), jnp.float32)]
            + [pltpu.VMEM_SHARED((NPAD, LB), jnp.float32)]
            + [pltpu.SemaphoreType.DMA]
        ),
    )



def _pred_body(h_ref, a_ref, w2_ref, b2_ref, g_ref,
               pred_ref, act_ref, lp_ref, scratch):
    i = pl.program_id(0)
    a = jnp.concatenate([h_ref[q] + a_ref[q] for q in range(QB)], axis=1)
    pred_blk = jnp.dot(a, w2_ref[...],
                       preferred_element_type=jnp.float32) + b2_ref[0, 0]
    pred_ref[...] = pred_blk
    scratch[pl.ds(i * (BLK // LANES), BLK // LANES), :] = (
        pred_blk.reshape(BLK // LANES, LANES))

    @pl.when(i == NPAD // BLK - 1)
    def _():
        pred = scratch[...]
        row = lax.broadcasted_iota(jnp.int32, (ROWS, LANES), 0)
        col = lax.broadcasted_iota(jnp.int32, (ROWS, LANES), 1)
        flat = row * LANES + col
        valid = flat < N
        neg_inf = jnp.float32(-jnp.inf)

        m = jnp.max(jnp.where(valid, pred, neg_inf))
        e = jnp.where(valid, jnp.exp(pred - m), 0.0)
        p = e / jnp.sum(e)

        y = jnp.where(valid, jnp.log(p + 1e-20) + g_ref[...], neg_inf)
        ymax = jnp.max(y)
        action = jnp.min(jnp.where(y == ymax, flat, jnp.int32(2147483647)))
        act_ref[0, 0] = action
        lp_ref[0, 0] = jnp.log(jnp.sum(jnp.where(flat == action, p, 0.0)))


def _pred_sample(h_blk, agg_blk, W2, b2, g80):
    return pl.pallas_call(
        _pred_body,
        grid=(NPAD // BLK,),
        in_specs=[
            pl.BlockSpec((QB, BLK, LB), lambda i: (0, i, 0)),
            pl.BlockSpec((QB, BLK, LB), lambda i: (0, i, 0)),
            pl.BlockSpec((H, 1), lambda i: (0, 0)),
            pl.BlockSpec((1, 1), lambda i: (0, 0)),
            pl.BlockSpec((ROWS, LANES), lambda i: (0, 0)),
        ],
        out_specs=[
            pl.BlockSpec((BLK, 1), lambda i: (i, 0)),
            pl.BlockSpec((1, 1), lambda i: (0, 0), memory_space=pltpu.SMEM),
            pl.BlockSpec((1, 1), lambda i: (0, 0), memory_space=pltpu.SMEM),
        ],
        out_shape=[
            jax.ShapeDtypeStruct((NPAD, 1), jnp.float32),
            jax.ShapeDtypeStruct((1, 1), jnp.int32),
            jax.ShapeDtypeStruct((1, 1), jnp.float32),
        ],
        scratch_shapes=[pltpu.VMEM((ROWS, LANES), jnp.float32)],
    )(h_blk, agg_blk, W2, b2.reshape(1, 1), g80)



def kernel(x, edge_index, batch, W1, b1, W2, b2):
    h_blk = _hidden(x, W1, b1)

    src = jnp.concatenate(
        [edge_index[0], jnp.zeros((EPAD - E,), jnp.int32)]).reshape(NS, CHE, LANES)
    dst = jnp.concatenate(
        [edge_index[1], jnp.full((EPAD - E,), N, jnp.int32)]).reshape(NS, CHE, LANES)
    zeros = jnp.zeros((SLICE, LB), jnp.float32)

    agg_blk = _segsum()(h_blk, src, dst, zeros)

    g = jax.random.gumbel(jax.random.key(42), (N,), jnp.float32)
    g80 = jnp.concatenate([g, jnp.zeros((NPAD - N,), jnp.float32)]
                          ).reshape(ROWS, LANES)

    pred_pad, act, lp = _pred_sample(h_blk, agg_blk, W2, b2, g80)
    return (pred_pad[:N], act.reshape(()), lp.reshape(()))

# --- scband reference (transcript-rebuilt; emitter-appended) ---
"""Pipeline reference for scband-actor-24146306138828 (READ-ONLY COPY).

The authoritative reference and input builder live on the scoring server;
editing this copy changes nothing except your own understanding.
"""

import jax, jax.numpy as jnp
import numpy as np

N, E, D, H = 10000, 160000, 256, 512


def setup_inputs(seed: int = 0) -> dict:
    key = jax.random.key(seed)
    k1, k2, k3, k4 = jax.random.split(key, 4)
    x = jax.random.normal(k1, (N, D), dtype=jnp.float32)
    edge_index = jnp.asarray(
        np.random.default_rng(0).integers(0, N, size=(2, E)), dtype=jnp.int32
    )
    batch = jnp.zeros((N,), dtype=jnp.int32)
    W1 = jax.random.normal(k3, (D, H), dtype=jnp.float32) * 0.05
    b1 = jnp.zeros((H,), dtype=jnp.float32)
    W2 = jax.random.normal(k4, (H, 1), dtype=jnp.float32) * 0.05
    b2 = jnp.zeros((1,), dtype=jnp.float32)
    return {"x": x, "edge_index": edge_index, "batch": batch,
            "W1": W1, "b1": b1, "W2": W2, "b2": b2}


def _policy_network(x, edge_index, batch, W1, b1, W2, b2):
    # Simple message-passing policy network: dense -> scatter-add aggregate -> dense head
    h = jax.nn.relu(x @ W1 + b1)                      # [N, H]
    src = edge_index[0]
    dst = edge_index[1]
    msgs = jnp.take(h, src, axis=0)                   # gather  [E, H]
    agg = jnp.zeros_like(h).at[dst].add(msgs)         # scatter-add [N, H]
    pred = (h + agg) @ W2 + b2                        # [N, 1] per-node logits
    return pred


def reference(x, edge_index, batch, W1, b1, W2, b2):
    pred = _policy_network(x, edge_index, batch, W1, b1, W2, b2)
    # Actor.forward: softmax over dim=0 (all nodes), flatten, categorical sample
    probabilities = jax.nn.softmax(pred, axis=0).reshape(-1)  # [N]
    action_index = jax.random.categorical(
        jax.random.key(42), jnp.log(probabilities + 1e-20)
    )
    log_prob = jnp.log(probabilities[action_index])
    return (pred, action_index, log_prob)

if __name__ == "__main__":
    import jax
    _d = setup_inputs()
    print(jax.jit(kernel)(*tuple(_d.values())))

</pallas_src>

<mosaic_0001>
#map = affine_map<(d0, d1) -> (0, 0, 0)>
#map1 = affine_map<(d0, d1) -> (0, 0)>
module attributes {stable_mosaic.version = 14 : i64} {
  func.func @_segsum_body(%arg0: i32, %arg1: i32, %arg2: memref<4x10240x128xf32, #tpu.memory_space<hbm>>, %arg3: memref<16x79x128xi32, #tpu.memory_space<hbm>>, %arg4: memref<16x79x128xi32, #tpu.memory_space<hbm>>, %arg5: memref<640x128xf32, #tpu.memory_space<hbm>>, %arg6: memref<4x10240x128xf32, #tpu.memory_space<hbm>>, %arg7: memref<79x128xi32, #tpu.memory_space<vmem>>, %arg8: memref<79x128xi32, #tpu.memory_space<vmem>>, %arg9: memref<128x128xf32, #tpu.memory_space<vmem>>, %arg10: memref<10240x128xf32, #tpu.memory_space<vmem_shared>>, %arg11: memref<!tpu.dma_semaphore, #tpu.memory_space<semaphore_mem>>) attributes {dimension_semantics = [#tpu.dimension_semantics<core_parallel>, #tpu.dimension_semantics<subcore_parallel>], iteration_bounds = array<i64: 2, 16>, scalar_prefetch = 0 : i64, scratch_operands = 5 : i64, tpu.core_type = #tpu.core_type<sc_vector_subcore>, window_params = [{transform_indices = #map}, {transform_indices = #map}, {transform_indices = #map}, {transform_indices = #map1}, {transform_indices = #map}]} {
    "tpu.region"() ({
      %run_scoped3A = tpu.sem_alloc : memref<!tpu.dma_semaphore, #tpu.memory_space<semaphore_mem>>
      %dma_start3A = arith.constant 0 : i32
      %dma_start3A_34 = arith.constant 0 : i32
      %dma_start3A_35 = tpu.memref_slice %arg3[%arg1, %dma_start3A, %dma_start3A_34] : memref<16x79x128xi32, #tpu.memory_space<hbm>> -> memref<1x79x128xi32, #tpu.memory_space<hbm>>
      %dma_start3A_36 = tpu.memref_squeeze %dma_start3A_35 : memref<1x79x128xi32, #tpu.memory_space<hbm>> -> memref<79x128xi32, #tpu.memory_space<hbm>>
      %dma_start3A_37 = arith.constant 0 : i32
      %dma_start3A_38 = arith.constant 0 : i32
      %dma_start3A_39 = tpu.memref_slice %arg3[%arg1, %dma_start3A_37, %dma_start3A_38] : memref<16x79x128xi32, #tpu.memory_space<hbm>> -> memref<1x79x128xi32, #tpu.memory_space<hbm>>
      %dma_start3A_40 = tpu.memref_squeeze %dma_start3A_39 : memref<1x79x128xi32, #tpu.memory_space<hbm>> -> memref<79x128xi32, #tpu.memory_space<hbm>>
      tpu.enqueue_dma source(%dma_start3A_40 : memref<79x128xi32, #tpu.memory_space<hbm>>) target(%arg7 : memref<79x128xi32, #tpu.memory_space<vmem>>) target_semaphore(%run_scoped3A : memref<!tpu.dma_semaphore, #tpu.memory_space<semaphore_mem>>)
      %dma_wait3A = arith.constant 0 : i32
      %dma_wait3A_41 = arith.constant 0 : i32
      %dma_wait3A_42 = tpu.memref_slice %arg3[%arg1, %dma_wait3A, %dma_wait3A_41] : memref<16x79x128xi32, #tpu.memory_space<hbm>> -> memref<1x79x128xi32, #tpu.memory_space<hbm>>
      %dma_wait3A_43 = tpu.memref_squeeze %dma_wait3A_42 : memref<1x79x128xi32, #tpu.memory_space<hbm>> -> memref<79x128xi32, #tpu.memory_space<hbm>>
      %dma_wait3A_44 = arith.constant 0 : i32
      %dma_wait3A_45 = arith.constant 0 : i32
      %dma_wait3A_46 = tpu.memref_slice %arg3[%arg1, %dma_wait3A_44, %dma_wait3A_45] : memref<16x79x128xi32, #tpu.memory_space<hbm>> -> memref<1x79x128xi32, #tpu.memory_space<hbm>>
      %dma_wait3A_47 = tpu.memref_squeeze %dma_wait3A_46 : memref<1x79x128xi32, #tpu.memory_space<hbm>> -> memref<79x128xi32, #tpu.memory_space<hbm>>
      tpu.wait_dma2 semaphore(%run_scoped3A : memref<!tpu.dma_semaphore, #tpu.memory_space<semaphore_mem>>) src(%dma_wait3A_47 : memref<79x128xi32, #tpu.memory_space<hbm>>) dst(%arg7 : memref<79x128xi32, #tpu.memory_space<vmem>>)
      tpu.yield
    }) : () -> ()
    "tpu.region"() ({
      %run_scoped3A = tpu.sem_alloc : memref<!tpu.dma_semaphore, #tpu.memory_space<semaphore_mem>>
      %dma_start3A = arith.constant 0 : i32
      %dma_start3A_34 = arith.constant 0 : i32
      %dma_start3A_35 = tpu.memref_slice %arg4[%arg1, %dma_start3A, %dma_start3A_34] : memref<16x79x128xi32, #tpu.memory_space<hbm>> -> memref<1x79x128xi32, #tpu.memory_space<hbm>>
      %dma_start3A_36 = tpu.memref_squeeze %dma_start3A_35 : memref<1x79x128xi32, #tpu.memory_space<hbm>> -> memref<79x128xi32, #tpu.memory_space<hbm>>
      %dma_start3A_37 = arith.constant 0 : i32
      %dma_start3A_38 = arith.constant 0 : i32
      %dma_start3A_39 = tpu.memref_slice %arg4[%arg1, %dma_start3A_37, %dma_start3A_38] : memref<16x79x128xi32, #tpu.memory_space<hbm>> -> memref<1x79x128xi32, #tpu.memory_space<hbm>>
      %dma_start3A_40 = tpu.memref_squeeze %dma_start3A_39 : memref<1x79x128xi32, #tpu.memory_space<hbm>> -> memref<79x128xi32, #tpu.memory_space<hbm>>
      tpu.enqueue_dma source(%dma_start3A_40 : memref<79x128xi32, #tpu.memory_space<hbm>>) target(%arg8 : memref<79x128xi32, #tpu.memory_space<vmem>>) target_semaphore(%run_scoped3A : memref<!tpu.dma_semaphore, #tpu.memory_space<semaphore_mem>>)
      %dma_wait3A = arith.constant 0 : i32
      %dma_wait3A_41 = arith.constant 0 : i32
      %dma_wait3A_42 = tpu.memref_slice %arg4[%arg1, %dma_wait3A, %dma_wait3A_41] : memref<16x79x128xi32, #tpu.memory_space<hbm>> -> memref<1x79x128xi32, #tpu.memory_space<hbm>>
      %dma_wait3A_43 = tpu.memref_squeeze %dma_wait3A_42 : memref<1x79x128xi32, #tpu.memory_space<hbm>> -> memref<79x128xi32, #tpu.memory_space<hbm>>
      %dma_wait3A_44 = arith.constant 0 : i32
      %dma_wait3A_45 = arith.constant 0 : i32
      %dma_wait3A_46 = tpu.memref_slice %arg4[%arg1, %dma_wait3A_44, %dma_wait3A_45] : memref<16x79x128xi32, #tpu.memory_space<hbm>> -> memref<1x79x128xi32, #tpu.memory_space<hbm>>
      %dma_wait3A_47 = tpu.memref_squeeze %dma_wait3A_46 : memref<1x79x128xi32, #tpu.memory_space<hbm>> -> memref<79x128xi32, #tpu.memory_space<hbm>>
      tpu.wait_dma2 semaphore(%run_scoped3A : memref<!tpu.dma_semaphore, #tpu.memory_space<semaphore_mem>>) src(%dma_wait3A_47 : memref<79x128xi32, #tpu.memory_space<hbm>>) dst(%arg8 : memref<79x128xi32, #tpu.memory_space<vmem>>)
      tpu.yield
    }) : () -> ()
    %mul3A = arith.constant 2 : i32
    %mul3A_0 = arith.muli %arg0, %mul3A : i32
    %add3A = arith.constant 0 : i32
    %add3A_1 = arith.addi %mul3A_0, %add3A : i32
    %mul3A_2 = arith.constant 640 : i32
    %mul3A_3 = arith.muli %arg1, %mul3A_2 : i32
    "tpu.region"() ({
      %run_scoped3A = tpu.sem_alloc : memref<!tpu.dma_semaphore, #tpu.memory_space<semaphore_mem>>
      %dma_start3A = arith.constant 0 : i32
      %dma_start3A_34 = tpu.memref_slice %arg10[%mul3A_3, %dma_start3A] : memref<10240x128xf32, #tpu.memory_space<vmem_shared>> -> memref<640x128xf32, #tpu.memory_space<vmem_shared>>
      tpu.enqueue_dma source(%arg5 : memref<640x128xf32, #tpu.memory_space<hbm>>) target(%dma_start3A_34 : memref<640x128xf32, #tpu.memory_space<vmem_shared>>) target_semaphore(%run_scoped3A : memref<!tpu.dma_semaphore, #tpu.memory_space<semaphore_mem>>)
      %dma_wait3A = arith.constant 0 : i32
      %dma_wait3A_35 = tpu.memref_slice %arg10[%mul3A_3, %dma_wait3A] : memref<10240x128xf32, #tpu.memory_space<vmem_shared>> -> memref<640x128xf32, #tpu.memory_space<vmem_shared>>
      tpu.wait_dma2 semaphore(%run_scoped3A : memref<!tpu.dma_semaphore, #tpu.memory_space<semaphore_mem>>) src(%arg5 : memref<640x128xf32, #tpu.memory_space<hbm>>) dst(%dma_wait3A_35 : memref<640x128xf32, #tpu.memory_space<vmem_shared>>)
      tpu.yield
    }) : () -> ()
    %barrier3A = arith.constant 0 : index
    tpu.barrier barrier_id(%barrier3A)
    %scan3A = arith.constant 0 : i32
    %scan3A_4 = arith.constant 0 : i32
    %scan3A_5 = arith.constant 79 : i32
    %scan3A_6 = arith.addi %scan3A_4, %scan3A_5 : i32
    %scan3A_7 = arith.constant 1 : i32
    scf.for %scan3A_34 = %scan3A_4 to %scan3A_6 step %scan3A_7  : i32 {
      %dma_start3A = arith.constant 0 : i32
      %dma_start3A_35 = tpu.memref_slice %arg7[%scan3A_34, %dma_start3A] : memref<79x128xi32, #tpu.memory_space<vmem>> -> memref<1x128xi32, #tpu.memory_space<vmem>>
      %dma_start3A_36 = tpu.memref_squeeze %dma_start3A_35 : memref<1x128xi32, #tpu.memory_space<vmem>> -> memref<128xi32, #tpu.memory_space<vmem>>
      %dma_start3A_37 = arith.constant 0 : i32
      %dma_start3A_38 = arith.constant 0 : i32
      %dma_start3A_39 = tpu.memref_slice %arg2[%add3A_1, %dma_start3A_37, %dma_start3A_38] : memref<4x10240x128xf32, #tpu.memory_space<hbm>> -> memref<1x10240x128xf32, #tpu.memory_space<hbm>>
      %dma_start3A_40 = tpu.memref_squeeze %dma_start3A_39 : memref<1x10240x128xf32, #tpu.memory_space<hbm>> -> memref<10240x128xf32, #tpu.memory_space<hbm>>
      %dma_start3A_41 = arith.constant 0 : i32
      %dma_start3A_42 = arith.constant 0 : i32
      %dma_start3A_43 = tpu.memref_slice %dma_start3A_40[%dma_start3A_41, %dma_start3A_42] : memref<10240x128xf32, #tpu.memory_space<hbm>> -> memref<10240x128xf32, #tpu.memory_space<hbm>>
      tpu.enqueue_indirect_dma source(%dma_start3A_43 : memref<10240x128xf32, #tpu.memory_space<hbm>>) target(%arg9 : memref<128x128xf32, #tpu.memory_space<vmem>>) offsets(%dma_start3A_36 : memref<128xi32, #tpu.memory_space<vmem>>) semaphore(%arg11 : memref<!tpu.dma_semaphore, #tpu.memory_space<semaphore_mem>>)
      %dma_wait3A = arith.constant 0 : i32
      %dma_wait3A_44 = tpu.memref_slice %arg7[%scan3A_34, %dma_wait3A] : memref<79x128xi32, #tpu.memory_space<vmem>> -> memref<1x128xi32, #tpu.memory_space<vmem>>
      %dma_wait3A_45 = tpu.memref_squeeze %dma_wait3A_44 : memref<1x128xi32, #tpu.memory_space<vmem>> -> memref<128xi32, #tpu.memory_space<vmem>>
      %dma_wait3A_46 = arith.constant 0 : i32
      %dma_wait3A_47 = arith.constant 0 : i32
      %dma_wait3A_48 = tpu.memref_slice %arg2[%add3A_1, %dma_wait3A_46, %dma_wait3A_47] : memref<4x10240x128xf32, #tpu.memory_space<hbm>> -> memref<1x10240x128xf32, #tpu.memory_space<hbm>>
      %dma_wait3A_49 = tpu.memref_squeeze %dma_wait3A_48 : memref<1x10240x128xf32, #tpu.memory_space<hbm>> -> memref<10240x128xf32, #tpu.memory_space<hbm>>
      %dma_wait3A_50 = arith.constant 0 : i32
      %dma_wait3A_51 = arith.constant 0 : i32
      %dma_wait3A_52 = tpu.memref_slice %dma_wait3A_49[%dma_wait3A_50, %dma_wait3A_51] : memref<10240x128xf32, #tpu.memory_space<hbm>> -> memref<10240x128xf32, #tpu.memory_space<hbm>>
      tpu.wait_indirect_dma semaphore(%arg11 : memref<!tpu.dma_semaphore, #tpu.memory_space<semaphore_mem>>) src(%dma_wait3A_52 : memref<10240x128xf32, #tpu.memory_space<hbm>>) dst(%arg9 : memref<128x128xf32, #tpu.memory_space<vmem>>)
      "tpu.region"() ({
        %run_scoped3A = tpu.sem_alloc : memref<!tpu.dma_semaphore, #tpu.memory_space<semaphore_mem>>
        %dma_start3A_53 = arith.constant 0 : i32
        %dma_start3A_54 = tpu.memref_slice %arg8[%scan3A_34, %dma_start3A_53] : memref<79x128xi32, #tpu.memory_space<vmem>> -> memref<1x128xi32, #tpu.memory_space<vmem>>
        %dma_start3A_55 = tpu.memref_squeeze %dma_start3A_54 : memref<1x128xi32, #tpu.memory_space<vmem>> -> memref<128xi32, #tpu.memory_space<vmem>>
        %dma_start3A_56 = arith.constant 0 : i32
        %dma_start3A_57 = arith.constant 0 : i32
        %dma_start3A_58 = tpu.memref_slice %arg10[%dma_start3A_56, %dma_start3A_57] : memref<10240x128xf32, #tpu.memory_space<vmem_shared>> -> memref<10240x128xf32, #tpu.memory_space<vmem_shared>>
        tpu.enqueue_indirect_dma source(%arg9 : memref<128x128xf32, #tpu.memory_space<vmem>>) target(%dma_start3A_58 : memref<10240x128xf32, #tpu.memory_space<vmem_shared>>) offsets(%dma_start3A_55 : memref<128xi32, #tpu.memory_space<vmem>>) semaphore(%run_scoped3A : memref<!tpu.dma_semaphore, #tpu.memory_space<semaphore_mem>>) {add = true}
        %dma_wait3A_59 = arith.constant 0 : i32
        %dma_wait3A_60 = tpu.memref_slice %arg8[%scan3A_34, %dma_wait3A_59] : memref<79x128xi32, #tpu.memory_space<vmem>> -> memref<1x128xi32, #tpu.memory_space<vmem>>
        %dma_wait3A_61 = tpu.memref_squeeze %dma_wait3A_60 : memref<1x128xi32, #tpu.memory_space<vmem>> -> memref<128xi32, #tpu.memory_space<vmem>>
        %dma_wait3A_62 = arith.constant 0 : i32
        %dma_wait3A_63 = arith.constant 0 : i32
        %dma_wait3A_64 = tpu.memref_slice %arg10[%dma_wait3A_62, %dma_wait3A_63] : memref<10240x128xf32, #tpu.memory_space<vmem_shared>> -> memref<10240x128xf32, #tpu.memory_space<vmem_shared>>
        tpu.wait_indirect_dma semaphore(%run_scoped3A : memref<!tpu.dma_semaphore, #tpu.memory_space<semaphore_mem>>) src(%arg9 : memref<128x128xf32, #tpu.memory_space<vmem>>) dst(%dma_wait3A_64 : memref<10240x128xf32, #tpu.memory_space<vmem_shared>>)
        tpu.yield
      }) : () -> ()
    }
    %scan3A_8 = arith.constant 79 : i32
    %barrier3A_9 = arith.constant 0 : index
    tpu.barrier barrier_id(%barrier3A_9)
    %mul3A_10 = arith.constant 640 : i32
    %mul3A_11 = arith.muli %arg1, %mul3A_10 : i32
    %mul3A_12 = arith.constant 640 : i32
    %mul3A_13 = arith.muli %arg1, %mul3A_12 : i32
    "tpu.region"() ({
      %run_scoped3A = tpu.sem_alloc : memref<!tpu.dma_semaphore, #tpu.memory_space<semaphore_mem>>
      %dma_start3A = arith.constant 0 : i32
      %dma_start3A_34 = tpu.memref_slice %arg6[%add3A_1, %mul3A_13, %dma_start3A] : memref<4x10240x128xf32, #tpu.memory_space<hbm>> -> memref<1x640x128xf32, #tpu.memory_space<hbm>>
      %dma_start3A_35 = tpu.memref_squeeze %dma_start3A_34 : memref<1x640x128xf32, #tpu.memory_space<hbm>> -> memref<640x128xf32, #tpu.memory_space<hbm>>
      %dma_start3A_36 = arith.constant 0 : i32
      %dma_start3A_37 = tpu.memref_slice %arg10[%mul3A_11, %dma_start3A_36] : memref<10240x128xf32, #tpu.memory_space<vmem_shared>> -> memref<640x128xf32, #tpu.memory_space<vmem_shared>>
      tpu.enqueue_dma source(%dma_start3A_37 : memref<640x128xf32, #tpu.memory_space<vmem_shared>>) target(%dma_start3A_35 : memref<640x128xf32, #tpu.memory_space<hbm>>) target_semaphore(%run_scoped3A : memref<!tpu.dma_semaphore, #tpu.memory_space<semaphore_mem>>)
      %dma_wait3A = arith.constant 0 : i32
      %dma_wait3A_38 = tpu.memref_slice %arg6[%add3A_1, %mul3A_13, %dma_wait3A] : memref<4x10240x128xf32, #tpu.memory_space<hbm>> -> memref<1x640x128xf32, #tpu.memory_space<hbm>>
      %dma_wait3A_39 = tpu.memref_squeeze %dma_wait3A_38 : memref<1x640x128xf32, #tpu.memory_space<hbm>> -> memref<640x128xf32, #tpu.memory_space<hbm>>
      %dma_wait3A_40 = arith.constant 0 : i32
      %dma_wait3A_41 = tpu.memref_slice %arg10[%mul3A_11, %dma_wait3A_40] : memref<10240x128xf32, #tpu.memory_space<vmem_shared>> -> memref<640x128xf32, #tpu.memory_space<vmem_shared>>
      tpu.wait_dma2 semaphore(%run_scoped3A : memref<!tpu.dma_semaphore, #tpu.memory_space<semaphore_mem>>) src(%dma_wait3A_41 : memref<640x128xf32, #tpu.memory_space<vmem_shared>>) dst(%dma_wait3A_39 : memref<640x128xf32, #tpu.memory_space<hbm>>)
      tpu.yield
    }) : () -> ()
    %barrier3A_14 = arith.constant 0 : index
    tpu.barrier barrier_id(%barrier3A_14)
    %mul3A_15 = arith.constant 2 : i32
    %mul3A_16 = arith.muli %arg0, %mul3A_15 : i32
    %add3A_17 = arith.constant 1 : i32
    %add3A_18 = arith.addi %mul3A_16, %add3A_17 : i32
    %mul3A_19 = arith.constant 640 : i32
    %mul3A_20 = arith.muli %arg1, %mul3A_19 : i32
    "tpu.region"() ({
      %run_scoped3A = tpu.sem_alloc : memref<!tpu.dma_semaphore, #tpu.memory_space<semaphore_mem>>
      %dma_start3A = arith.constant 0 : i32
      %dma_start3A_34 = tpu.memref_slice %arg10[%mul3A_20, %dma_start3A] : memref<10240x128xf32, #tpu.memory_space<vmem_shared>> -> memref<640x128xf32, #tpu.memory_space<vmem_shared>>
      tpu.enqueue_dma source(%arg5 : memref<640x128xf32, #tpu.memory_space<hbm>>) target(%dma_start3A_34 : memref<640x128xf32, #tpu.memory_space<vmem_shared>>) target_semaphore(%run_scoped3A : memref<!tpu.dma_semaphore, #tpu.memory_space<semaphore_mem>>)
      %dma_wait3A = arith.constant 0 : i32
      %dma_wait3A_35 = tpu.memref_slice %arg10[%mul3A_20, %dma_wait3A] : memref<10240x128xf32, #tpu.memory_space<vmem_shared>> -> memref<640x128xf32, #tpu.memory_space<vmem_shared>>
      tpu.wait_dma2 semaphore(%run_scoped3A : memref<!tpu.dma_semaphore, #tpu.memory_space<semaphore_mem>>) src(%arg5 : memref<640x128xf32, #tpu.memory_space<hbm>>) dst(%dma_wait3A_35 : memref<640x128xf32, #tpu.memory_space<vmem_shared>>)
      tpu.yield
    }) : () -> ()
    %barrier3A_21 = arith.constant 0 : index
    tpu.barrier barrier_id(%barrier3A_21)
    %scan3A_22 = arith.constant 0 : i32
    %scan3A_23 = arith.constant 0 : i32
    %scan3A_24 = arith.constant 79 : i32
    %scan3A_25 = arith.addi %scan3A_23, %scan3A_24 : i32
    %scan3A_26 = arith.constant 1 : i32
    scf.for %scan3A_34 = %scan3A_23 to %scan3A_25 step %scan3A_26  : i32 {
      %dma_start3A = arith.constant 0 : i32
      %dma_start3A_35 = tpu.memref_slice %arg7[%scan3A_34, %dma_start3A] : memref<79x128xi32, #tpu.memory_space<vmem>> -> memref<1x128xi32, #tpu.memory_space<vmem>>
      %dma_start3A_36 = tpu.memref_squeeze %dma_start3A_35 : memref<1x128xi32, #tpu.memory_space<vmem>> -> memref<128xi32, #tpu.memory_space<vmem>>
      %dma_start3A_37 = arith.constant 0 : i32
      %dma_start3A_38 = arith.constant 0 : i32
      %dma_start3A_39 = tpu.memref_slice %arg2[%add3A_18, %dma_start3A_37, %dma_start3A_38] : memref<4x10240x128xf32, #tpu.memory_space<hbm>> -> memref<1x10240x128xf32, #tpu.memory_space<hbm>>
      %dma_start3A_40 = tpu.memref_squeeze %dma_start3A_39 : memref<1x10240x128xf32, #tpu.memory_space<hbm>> -> memref<10240x128xf32, #tpu.memory_space<hbm>>
      %dma_start3A_41 = arith.constant 0 : i32
      %dma_start3A_42 = arith.constant 0 : i32
      %dma_start3A_43 = tpu.memref_slice %dma_start3A_40[%dma_start3A_41, %dma_start3A_42] : memref<10240x128xf32, #tpu.memory_space<hbm>> -> memref<10240x128xf32, #tpu.memory_space<hbm>>
      tpu.enqueue_indirect_dma source(%dma_start3A_43 : memref<10240x128xf32, #tpu.memory_space<hbm>>) target(%arg9 : memref<128x128xf32, #tpu.memory_space<vmem>>) offsets(%dma_start3A_36 : memref<128xi32, #tpu.memory_space<vmem>>) semaphore(%arg11 : memref<!tpu.dma_semaphore, #tpu.memory_space<semaphore_mem>>)
      %dma_wait3A = arith.constant 0 : i32
      %dma_wait3A_44 = tpu.memref_slice %arg7[%scan3A_34, %dma_wait3A] : memref<79x128xi32, #tpu.memory_space<vmem>> -> memref<1x128xi32, #tpu.memory_space<vmem>>
      %dma_wait3A_45 = tpu.memref_squeeze %dma_wait3A_44 : memref<1x128xi32, #tpu.memory_space<vmem>> -> memref<128xi32, #tpu.memory_space<vmem>>
      %dma_wait3A_46 = arith.constant 0 : i32
      %dma_wait3A_47 = arith.constant 0 : i32
      %dma_wait3A_48 = tpu.memref_slice %arg2[%add3A_18, %dma_wait3A_46, %dma_wait3A_47] : memref<4x10240x128xf32, #tpu.memory_space<hbm>> -> memref<1x10240x128xf32, #tpu.memory_space<hbm>>
      %dma_wait3A_49 = tpu.memref_squeeze %dma_wait3A_48 : memref<1x10240x128xf32, #tpu.memory_space<hbm>> -> memref<10240x128xf32, #tpu.memory_space<hbm>>
      %dma_wait3A_50 = arith.constant 0 : i32
      %dma_wait3A_51 = arith.constant 0 : i32
      %dma_wait3A_52 = tpu.memref_slice %dma_wait3A_49[%dma_wait3A_50, %dma_wait3A_51] : memref<10240x128xf32, #tpu.memory_space<hbm>> -> memref<10240x128xf32, #tpu.memory_space<hbm>>
      tpu.wait_indirect_dma semaphore(%arg11 : memref<!tpu.dma_semaphore, #tpu.memory_space<semaphore_mem>>) src(%dma_wait3A_52 : memref<10240x128xf32, #tpu.memory_space<hbm>>) dst(%arg9 : memref<128x128xf32, #tpu.memory_space<vmem>>)
      "tpu.region"() ({
        %run_scoped3A = tpu.sem_alloc : memref<!tpu.dma_semaphore, #tpu.memory_space<semaphore_mem>>
        %dma_start3A_53 = arith.constant 0 : i32
        %dma_start3A_54 = tpu.memref_slice %arg8[%scan3A_34, %dma_start3A_53] : memref<79x128xi32, #tpu.memory_space<vmem>> -> memref<1x128xi32, #tpu.memory_space<vmem>>
        %dma_start3A_55 = tpu.memref_squeeze %dma_start3A_54 : memref<1x128xi32, #tpu.memory_space<vmem>> -> memref<128xi32, #tpu.memory_space<vmem>>
        %dma_start3A_56 = arith.constant 0 : i32
        %dma_start3A_57 = arith.constant 0 : i32
        %dma_start3A_58 = tpu.memref_slice %arg10[%dma_start3A_56, %dma_start3A_57] : memref<10240x128xf32, #tpu.memory_space<vmem_shared>> -> memref<10240x128xf32, #tpu.memory_space<vmem_shared>>
        tpu.enqueue_indirect_dma source(%arg9 : memref<128x128xf32, #tpu.memory_space<vmem>>) target(%dma_start3A_58 : memref<10240x128xf32, #tpu.memory_space<vmem_shared>>) offsets(%dma_start3A_55 : memref<128xi32, #tpu.memory_space<vmem>>) semaphore(%run_scoped3A : memref<!tpu.dma_semaphore, #tpu.memory_space<semaphore_mem>>) {add = true}
        %dma_wait3A_59 = arith.constant 0 : i32
        %dma_wait3A_60 = tpu.memref_slice %arg8[%scan3A_34, %dma_wait3A_59] : memref<79x128xi32, #tpu.memory_space<vmem>> -> memref<1x128xi32, #tpu.memory_space<vmem>>
        %dma_wait3A_61 = tpu.memref_squeeze %dma_wait3A_60 : memref<1x128xi32, #tpu.memory_space<vmem>> -> memref<128xi32, #tpu.memory_space<vmem>>
        %dma_wait3A_62 = arith.constant 0 : i32
        %dma_wait3A_63 = arith.constant 0 : i32
        %dma_wait3A_64 = tpu.memref_slice %arg10[%dma_wait3A_62, %dma_wait3A_63] : memref<10240x128xf32, #tpu.memory_space<vmem_shared>> -> memref<10240x128xf32, #tpu.memory_space<vmem_shared>>
        tpu.wait_indirect_dma semaphore(%run_scoped3A : memref<!tpu.dma_semaphore, #tpu.memory_space<semaphore_mem>>) src(%arg9 : memref<128x128xf32, #tpu.memory_space<vmem>>) dst(%dma_wait3A_64 : memref<10240x128xf32, #tpu.memory_space<vmem_shared>>)
        tpu.yield
      }) : () -> ()
    }
    %scan3A_27 = arith.constant 79 : i32
    %barrier3A_28 = arith.constant 0 : index
    tpu.barrier barrier_id(%barrier3A_28)
    %mul3A_29 = arith.constant 640 : i32
    %mul3A_30 = arith.muli %arg1, %mul3A_29 : i32
    %mul3A_31 = arith.constant 640 : i32
    %mul3A_32 = arith.muli %arg1, %mul3A_31 : i32
    "tpu.region"() ({
      %run_scoped3A = tpu.sem_alloc : memref<!tpu.dma_semaphore, #tpu.memory_space<semaphore_mem>>
      %dma_start3A = arith.constant 0 : i32
      %dma_start3A_34 = tpu.memref_slice %arg6[%add3A_18, %mul3A_32, %dma_start3A] : memref<4x10240x128xf32, #tpu.memory_space<hbm>> -> memref<1x640x128xf32, #tpu.memory_space<hbm>>
      %dma_start3A_35 = tpu.memref_squeeze %dma_start3A_34 : memref<1x640x128xf32, #tpu.memory_space<hbm>> -> memref<640x128xf32, #tpu.memory_space<hbm>>
      %dma_start3A_36 = arith.constant 0 : i32
      %dma_start3A_37 = tpu.memref_slice %arg10[%mul3A_30, %dma_start3A_36] : memref<10240x128xf32, #tpu.memory_space<vmem_shared>> -> memref<640x128xf32, #tpu.memory_space<vmem_shared>>
      tpu.enqueue_dma source(%dma_start3A_37 : memref<640x128xf32, #tpu.memory_space<vmem_shared>>) target(%dma_start3A_35 : memref<640x128xf32, #tpu.memory_space<hbm>>) target_semaphore(%run_scoped3A : memref<!tpu.dma_semaphore, #tpu.memory_space<semaphore_mem>>)
      %dma_wait3A = arith.constant 0 : i32
      %dma_wait3A_38 = tpu.memref_slice %arg6[%add3A_18, %mul3A_32, %dma_wait3A] : memref<4x10240x128xf32, #tpu.memory_space<hbm>> -> memref<1x640x128xf32, #tpu.memory_space<hbm>>
      %dma_wait3A_39 = tpu.memref_squeeze %dma_wait3A_38 : memref<1x640x128xf32, #tpu.memory_space<hbm>> -> memref<640x128xf32, #tpu.memory_space<hbm>>
      %dma_wait3A_40 = arith.constant 0 : i32
      %dma_wait3A_41 = tpu.memref_slice %arg10[%mul3A_30, %dma_wait3A_40] : memref<10240x128xf32, #tpu.memory_space<vmem_shared>> -> memref<640x128xf32, #tpu.memory_space<vmem_shared>>
      tpu.wait_dma2 semaphore(%run_scoped3A : memref<!tpu.dma_semaphore, #tpu.memory_space<semaphore_mem>>) src(%dma_wait3A_41 : memref<640x128xf32, #tpu.memory_space<vmem_shared>>) dst(%dma_wait3A_39 : memref<640x128xf32, #tpu.memory_space<hbm>>)
      tpu.yield
    }) : () -> ()
    %barrier3A_33 = arith.constant 0 : index
    tpu.barrier barrier_id(%barrier3A_33)
    return
  }
}

module attributes {stable_mosaic.version = 14 : i64} {
  func.func @_mlp_body(%arg0: i32, %arg1: memref<1024x256xf32, #tpu.memory_space<vmem>>, %arg2: memref<256x512xf32, #tpu.memory_space<vmem>>, %arg3: memref<1x512xf32, #tpu.memory_space<vmem>>, %arg4: memref<4x1024x128xf32, #tpu.memory_space<vmem>>) attributes {dimension_semantics = [#tpu.dimension_semantics<arbitrary>], iteration_bounds = array<i64: 10>, scalar_prefetch = 0 : i64, scratch_operands = 0 : i64, tpu.core_type = #tpu.core_type<tc>, window_params = [{transform_indices = @transform_0, window_bounds = array<i64: 1024, 256>}, {pipeline_mode = #tpu.pipeline_mode<synchronous>, transform_indices = @transform_1, window_bounds = array<i64: 256, 512>}, {pipeline_mode = #tpu.pipeline_mode<synchronous>, transform_indices = @transform_2, window_bounds = array<i64: 1, 512>}, {transform_indices = @transform_3, window_bounds = array<i64: 4, 1024, 128>}]} {
    %get3A = arith.constant 0 : index
    %get3A_0 = arith.constant 0 : index
    %get3A_1 = vector.load %arg1[%get3A, %get3A_0] : memref<1024x256xf32, #tpu.memory_space<vmem>>, vector<1024x256xf32>
    %get3A_2 = arith.constant 0 : index
    %get3A_3 = arith.constant 0 : index
    %get3A_4 = vector.load %arg2[%get3A_2, %get3A_3] : memref<256x512xf32, #tpu.memory_space<vmem>>, vector<256x512xf32>
    %dot_general3A = arith.constant dense<0.000000e+00> : vector<1024x512xf32>
    %dot_general3A_5 = tpu.matmul %get3A_1, %get3A_4, %dot_general3A {dimension_numbers = #tpu.dot_dimension_numbers<[1], [0], [0], [1], [0, 0, 1, 1], [], []>, transpose_lhs_hint = false} : vector<1024x256xf32>, vector<256x512xf32>, vector<1024x512xf32> -> vector<1024x512xf32>
    %get3A_6 = arith.constant 0 : index
    %get3A_7 = arith.constant 0 : index
    %get3A_8 = vector.load %arg3[%get3A_6, %get3A_7] : memref<1x512xf32, #tpu.memory_space<vmem>>, vector<1x512xf32>
    %add3A = vector.broadcast %get3A_8 : vector<1x512xf32> to vector<1024x512xf32>
    %add3A_9 = arith.addf %dot_general3A_5, %add3A : vector<1024x512xf32>
    %max3A = arith.constant 0.000000e+00 : f32
    %max3A_10 = vector.broadcast %max3A : f32 to vector<1024x512xf32>
    %max3A_11 = arith.maximumf %add3A_9, %max3A_10 : vector<1024x512xf32>
    %slice3A = vector.extract_strided_slice %max3A_11 {offsets = [0, 0], sizes = [1024, 128], strides = [1, 1]} : vector<1024x512xf32> to vector<1024x128xf32>
    %swap3A = arith.constant 0 : index
    %swap3A_12 = arith.constant 0 : index
    %swap3A_13 = arith.constant 0 : index
    %swap3A_14 = vector.load %arg4[%swap3A, %swap3A_12, %swap3A_13] : memref<4x1024x128xf32, #tpu.memory_space<vmem>>, vector<1x1024x128xf32>
    %swap3A_15 = vector.shape_cast %swap3A_14 : vector<1x1024x128xf32> to vector<1024x128xf32>
    %swap3A_16 = vector.shape_cast %slice3A : vector<1024x128xf32> to vector<1x1024x128xf32>
    tpu.vector_store %arg4[%swap3A, %swap3A_12, %swap3A_13], %swap3A_16 {strides = array<i32>} : memref<4x1024x128xf32, #tpu.memory_space<vmem>>, vector<1x1024x128xf32>,
    %slice3A_17 = vector.extract_strided_slice %max3A_11 {offsets = [0, 128], sizes = [1024, 128], strides = [1, 1]} : vector<1024x512xf32> to vector<1024x128xf32>
    %swap3A_18 = arith.constant 1 : index
    %swap3A_19 = arith.constant 0 : index
    %swap3A_20 = arith.constant 0 : index
    %swap3A_21 = vector.load %arg4[%swap3A_18, %swap3A_19, %swap3A_20] : memref<4x1024x128xf32, #tpu.memory_space<vmem>>, vector<1x1024x128xf32>
    %swap3A_22 = vector.shape_cast %swap3A_21 : vector<1x1024x128xf32> to vector<1024x128xf32>
    %swap3A_23 = vector.shape_cast %slice3A_17 : vector<1024x128xf32> to vector<1x1024x128xf32>
    tpu.vector_store %arg4[%swap3A_18, %swap3A_19, %swap3A_20], %swap3A_23 {strides = array<i32>} : memref<4x1024x128xf32, #tpu.memory_space<vmem>>, vector<1x1024x128xf32>,
    %slice3A_24 = vector.extract_strided_slice %max3A_11 {offsets = [0, 256], sizes = [1024, 128], strides = [1, 1]} : vector<1024x512xf32> to vector<1024x128xf32>
    %swap3A_25 = arith.constant 2 : index
    %swap3A_26 = arith.constant 0 : index
    %swap3A_27 = arith.constant 0 : index
    %swap3A_28 = vector.load %arg4[%swap3A_25, %swap3A_26, %swap3A_27] : memref<4x1024x128xf32, #tpu.memory_space<vmem>>, vector<1x1024x128xf32>
    %swap3A_29 = vector.shape_cast %swap3A_28 : vector<1x1024x128xf32> to vector<1024x128xf32>
    %swap3A_30 = vector.shape_cast %slice3A_24 : vector<1024x128xf32> to vector<1x1024x128xf32>
    tpu.vector_store %arg4[%swap3A_25, %swap3A_26, %swap3A_27], %swap3A_30 {strides = array<i32>} : memref<4x1024x128xf32, #tpu.memory_space<vmem>>, vector<1x1024x128xf32>,
    %slice3A_31 = vector.extract_strided_slice %max3A_11 {offsets = [0, 384], sizes = [1024, 128], strides = [1, 1]} : vector<1024x512xf32> to vector<1024x128xf32>
    %swap3A_32 = arith.constant 3 : index
    %swap3A_33 = arith.constant 0 : index
    %swap3A_34 = arith.constant 0 : index
    %swap3A_35 = vector.load %arg4[%swap3A_32, %swap3A_33, %swap3A_34] : memref<4x1024x128xf32, #tpu.memory_space<vmem>>, vector<1x1024x128xf32>
    %swap3A_36 = vector.shape_cast %swap3A_35 : vector<1x1024x128xf32> to vector<1024x128xf32>
    %swap3A_37 = vector.shape_cast %slice3A_31 : vector<1024x128xf32> to vector<1x1024x128xf32>
    tpu.vector_store %arg4[%swap3A_32, %swap3A_33, %swap3A_34], %swap3A_37 {strides = array<i32>} : memref<4x1024x128xf32, #tpu.memory_space<vmem>>, vector<1x1024x128xf32>,
    return
  }
  func.func @transform_0(%arg0: i32) -> (i32, i32) {
    %c0_i32 = arith.constant 0 : i32
    %c0_i32_0 = arith.constant 0 : i32
    return %arg0, %c0_i32 : i32, i32
  }
  func.func @transform_1(%arg0: i32) -> (i32, i32) {
    %c0_i32 = arith.constant 0 : i32
    %c0_i32_0 = arith.constant 0 : i32
    %c0_i32_1 = arith.constant 0 : i32
    return %c0_i32, %c0_i32_0 : i32, i32
  }
  func.func @transform_2(%arg0: i32) -> (i32, i32) {
    %c0_i32 = arith.constant 0 : i32
    %c0_i32_0 = arith.constant 0 : i32
    %c0_i32_1 = arith.constant 0 : i32
    return %c0_i32, %c0_i32_0 : i32, i32
  }
  func.func @transform_3(%arg0: i32) -> (i32, i32, i32) {
    %c0_i32 = arith.constant 0 : i32
    %c0_i32_0 = arith.constant 0 : i32
    %c0_i32_1 = arith.constant 0 : i32
    return %c0_i32, %arg0, %c0_i32_0 : i32, i32, i32
  }
}

module attributes {stable_mosaic.version = 14 : i64} {
  func.func @_pred_body(%arg0: i32, %arg1: memref<4x1024x128xf32, #tpu.memory_space<vmem>>, %arg2: memref<4x1024x128xf32, #tpu.memory_space<vmem>>, %arg3: memref<512x1xf32, #tpu.memory_space<vmem>>, %arg4: memref<1x1xf32, #tpu.memory_space<vmem>>, %arg5: memref<80x128xf32, #tpu.memory_space<vmem>>, %arg6: memref<1024x1xf32, #tpu.memory_space<vmem>>, %arg7: memref<1x1xi32, #tpu.memory_space<smem>>, %arg8: memref<1x1xf32, #tpu.memory_space<smem>>, %arg9: memref<80x128xf32, #tpu.memory_space<vmem>>) attributes {dimension_semantics = [#tpu.dimension_semantics<arbitrary>], iteration_bounds = array<i64: 10>, scalar_prefetch = 0 : i64, scratch_operands = 1 : i64, tpu.core_type = #tpu.core_type<tc>, window_params = [{transform_indices = @transform_0, window_bounds = array<i64: 4, 1024, 128>}, {transform_indices = @transform_1, window_bounds = array<i64: 4, 1024, 128>}, {pipeline_mode = #tpu.pipeline_mode<synchronous>, transform_indices = @transform_2, window_bounds = array<i64: 512, 1>}, {pipeline_mode = #tpu.pipeline_mode<synchronous>, transform_indices = @transform_3, window_bounds = array<i64: 1, 1>}, {pipeline_mode = #tpu.pipeline_mode<synchronous>, transform_indices = @transform_4, window_bounds = array<i64: 80, 128>}, {transform_indices = @transform_5, window_bounds = array<i64: 1024, 1>}, {transform_indices = @transform_6, window_bounds = array<i64: 1, 1>}, {transform_indices = @transform_7, window_bounds = array<i64: 1, 1>}]} {
    %get3A = arith.constant 0 : index
    %get3A_0 = arith.constant 0 : index
    %get3A_1 = arith.constant 0 : index
    %get3A_2 = vector.load %arg1[%get3A, %get3A_0, %get3A_1] : memref<4x1024x128xf32, #tpu.memory_space<vmem>>, vector<1x1024x128xf32>
    %get3A_3 = vector.shape_cast %get3A_2 : vector<1x1024x128xf32> to vector<1024x128xf32>
    %get3A_4 = arith.constant 0 : index
    %get3A_5 = arith.constant 0 : index
    %get3A_6 = arith.constant 0 : index
    %get3A_7 = vector.load %arg2[%get3A_4, %get3A_5, %get3A_6] : memref<4x1024x128xf32, #tpu.memory_space<vmem>>, vector<1x1024x128xf32>
    %get3A_8 = vector.shape_cast %get3A_7 : vector<1x1024x128xf32> to vector<1024x128xf32>
    %add3A = arith.addf %get3A_3, %get3A_8 : vector<1024x128xf32>
    %get3A_9 = arith.constant 1 : index
    %get3A_10 = arith.constant 0 : index
    %get3A_11 = arith.constant 0 : index
    %get3A_12 = vector.load %arg1[%get3A_9, %get3A_10, %get3A_11] : memref<4x1024x128xf32, #tpu.memory_space<vmem>>, vector<1x1024x128xf32>
    %get3A_13 = vector.shape_cast %get3A_12 : vector<1x1024x128xf32> to vector<1024x128xf32>
    %get3A_14 = arith.constant 1 : index
    %get3A_15 = arith.constant 0 : index
    %get3A_16 = arith.constant 0 : index
    %get3A_17 = vector.load %arg2[%get3A_14, %get3A_15, %get3A_16] : memref<4x1024x128xf32, #tpu.memory_space<vmem>>, vector<1x1024x128xf32>
    %get3A_18 = vector.shape_cast %get3A_17 : vector<1x1024x128xf32> to vector<1024x128xf32>
    %add3A_19 = arith.addf %get3A_13, %get3A_18 : vector<1024x128xf32>
    %get3A_20 = arith.constant 2 : index
    %get3A_21 = arith.constant 0 : index
    %get3A_22 = arith.constant 0 : index
    %get3A_23 = vector.load %arg1[%get3A_20, %get3A_21, %get3A_22] : memref<4x1024x128xf32, #tpu.memory_space<vmem>>, vector<1x1024x128xf32>
    %get3A_24 = vector.shape_cast %get3A_23 : vector<1x1024x128xf32> to vector<1024x128xf32>
    %get3A_25 = arith.constant 2 : index
    %get3A_26 = arith.constant 0 : index
    %get3A_27 = arith.constant 0 : index
    %get3A_28 = vector.load %arg2[%get3A_25, %get3A_26, %get3A_27] : memref<4x1024x128xf32, #tpu.memory_space<vmem>>, vector<1x1024x128xf32>
    %get3A_29 = vector.shape_cast %get3A_28 : vector<1x1024x128xf32> to vector<1024x128xf32>
    %add3A_30 = arith.addf %get3A_24, %get3A_29 : vector<1024x128xf32>
    %get3A_31 = arith.constant 3 : index
    %get3A_32 = arith.constant 0 : index
    %get3A_33 = arith.constant 0 : index
    %get3A_34 = vector.load %arg1[%get3A_31, %get3A_32, %get3A_33] : memref<4x1024x128xf32, #tpu.memory_space<vmem>>, vector<1x1024x128xf32>
    %get3A_35 = vector.shape_cast %get3A_34 : vector<1x1024x128xf32> to vector<1024x128xf32>
    %get3A_36 = arith.constant 3 : index
    %get3A_37 = arith.constant 0 : index
    %get3A_38 = arith.constant 0 : index
    %get3A_39 = vector.load %arg2[%get3A_36, %get3A_37, %get3A_38] : memref<4x1024x128xf32, #tpu.memory_space<vmem>>, vector<1x1024x128xf32>
    %get3A_40 = vector.shape_cast %get3A_39 : vector<1x1024x128xf32> to vector<1024x128xf32>
    %add3A_41 = arith.addf %get3A_35, %get3A_40 : vector<1024x128xf32>
    %concatenate3A = tpu.concatenate %add3A, %add3A_19, %add3A_30, %add3A_41 in 1 : vector<1024x128xf32>, vector<1024x128xf32>, vector<1024x128xf32>, vector<1024x128xf32> -> vector<1024x512xf32>
    %get3A_42 = arith.constant 0 : index
    %get3A_43 = arith.constant 0 : index
    %get3A_44 = vector.load %arg3[%get3A_42, %get3A_43] : memref<512x1xf32, #tpu.memory_space<vmem>>, vector<512x1xf32>
    %dot_general3A = arith.constant dense<0.000000e+00> : vector<1024x1xf32>
    %dot_general3A_45 = tpu.matmul %concatenate3A, %get3A_44, %dot_general3A {dimension_numbers = #tpu.dot_dimension_numbers<[1], [0], [0], [1], [0, 0, 1, 1], [], []>, transpose_lhs_hint = false} : vector<1024x512xf32>, vector<512x1xf32>, vector<1024x1xf32> -> vector<1024x1xf32>
    %get3A_46 = arith.constant 0 : index
    %get3A_47 = arith.constant 0 : index
    %get3A_48 = vector.load %arg4[%get3A_46, %get3A_47] : memref<1x1xf32, #tpu.memory_space<vmem>>, vector<1x1xf32>
    %get3A_49 = vector.extract %get3A_48[0, 0] : f32 from vector<1x1xf32>
    %add3A_50 = vector.broadcast %get3A_49 : f32 to vector<1024x1xf32>
    %add3A_51 = arith.addf %dot_general3A_45, %add3A_50 : vector<1024x1xf32>
    %swap3A = arith.constant 0 : index
    %swap3A_52 = arith.constant 0 : index
    %swap3A_53 = vector.load %arg6[%swap3A, %swap3A_52] : memref<1024x1xf32, #tpu.memory_space<vmem>>, vector<1024x1xf32>
    tpu.vector_store %arg6[%swap3A, %swap3A_52], %add3A_51 {strides = array<i32>} : memref<1024x1xf32, #tpu.memory_space<vmem>>, vector<1024x1xf32>,
    %reshape3A = vector.shape_cast %add3A_51 : vector<1024x1xf32> to vector<8x128xf32>
    %mul3A = arith.constant 8 : i32
    %mul3A_54 = arith.muli %arg0, %mul3A : i32
    %swap3A_55 = arith.index_cast %mul3A_54 : i32 to index
    %swap3A_56 = arith.constant 0 : index
    %swap3A_57 = vector.load %arg9[%swap3A_55, %swap3A_56] : memref<80x128xf32, #tpu.memory_space<vmem>>, vector<8x128xf32>
    tpu.vector_store %arg9[%swap3A_55, %swap3A_56], %reshape3A {strides = array<i32>} : memref<80x128xf32, #tpu.memory_space<vmem>>, vector<8x128xf32>,
    %eq3A = arith.constant 9 : i32
    %eq3A_58 = arith.cmpi eq, %arg0, %eq3A : i32
    %convert_element_type3A = arith.extui %eq3A_58 : i1 to i32
    %cond3A = arith.constant 0 : i32
    %cond3A_59 = arith.cmpi ne, %convert_element_type3A, %cond3A : i32
    scf.if %cond3A_59 {
      %get3A_60 = arith.constant 0 : index
      %get3A_61 = arith.constant 0 : index
      %get3A_62 = vector.load %arg9[%get3A_60, %get3A_61] : memref<80x128xf32, #tpu.memory_space<vmem>>, vector<80x128xf32>
      %iota3A = tpu.iota {dimensions = array<i32: 0>} : vector<80x128xi32>
      %iota3A_63 = tpu.iota {dimensions = array<i32: 1>} : vector<80x128xi32>
      %mul3A_64 = arith.constant 128 : i32
      %mul3A_65 = vector.broadcast %mul3A_64 : i32 to vector<80x128xi32>
      %mul3A_66 = arith.muli %iota3A, %mul3A_65 : vector<80x128xi32>
      %add3A_67 = arith.addi %mul3A_66, %iota3A_63 : vector<80x128xi32>
      %lt3A = arith.constant 10000 : i32
      %lt3A_68 = vector.broadcast %lt3A : i32 to vector<80x128xi32>
      %lt3A_69 = arith.cmpi slt, %add3A_67, %lt3A_68 : vector<80x128xi32>
      %jit3A = arith.constant 0xFF800000 : f32
      %broadcast_in_dim3A = vector.broadcast %jit3A : f32 to vector<80x128xf32>
      %select_n3A = arith.select %lt3A_69, %get3A_62, %broadcast_in_dim3A : vector<80x128xi1>, vector<80x128xf32>
      %reduce_max3A = vector.shape_cast %select_n3A : vector<80x128xf32> to vector<1x80x128xf32>
      %reduce_max3A_70 = arith.constant dense<0xFF800000> : vector<1xf32>
      %reduce_max3A_71 = vector.multi_reduction <maximumf>, %reduce_max3A, %reduce_max3A_70 [1, 2] : vector<1x80x128xf32> to vector<1xf32>
      %reduce_max3A_72 = vector.shape_cast %reduce_max3A_71 : vector<1xf32> to vector<1x1x1xf32>
      %reduce_max3A_73 = vector.extract %reduce_max3A_72[0, 0, 0] : f32 from vector<1x1x1xf32>
      %sub3A = vector.broadcast %reduce_max3A_73 : f32 to vector<80x128xf32>
      %sub3A_74 = arith.subf %get3A_62, %sub3A : vector<80x128xf32>
      %exp3A = math.exp %sub3A_74 : vector<80x128xf32>
      %jit3A_75 = arith.constant 0.000000e+00 : f32
      %broadcast_in_dim3A_76 = vector.broadcast %jit3A_75 : f32 to vector<80x128xf32>
      %select_n3A_77 = arith.select %lt3A_69, %exp3A, %broadcast_in_dim3A_76 : vector<80x128xi1>, vector<80x128xf32>
      %reduce_sum3A = vector.shape_cast %select_n3A_77 : vector<80x128xf32> to vector<1x80x128xf32>
      %reduce_sum3A_78 = arith.constant dense<0.000000e+00> : vector<1xf32>
      %reduce_sum3A_79 = vector.multi_reduction <add>, %reduce_sum3A, %reduce_sum3A_78 [1, 2] : vector<1x80x128xf32> to vector<1xf32>
      %reduce_sum3A_80 = vector.shape_cast %reduce_sum3A_79 : vector<1xf32> to vector<1x1x1xf32>
      %reduce_sum3A_81 = vector.extract %reduce_sum3A_80[0, 0, 0] : f32 from vector<1x1x1xf32>
      %div3A = vector.broadcast %reduce_sum3A_81 : f32 to vector<80x128xf32>
      %div3A_82 = arith.divf %select_n3A_77, %div3A : vector<80x128xf32>
      %add3A_83 = arith.constant 9.99999968E-21 : f32
      %add3A_84 = vector.broadcast %add3A_83 : f32 to vector<80x128xf32>
      %add3A_85 = arith.addf %div3A_82, %add3A_84 : vector<80x128xf32>
      %log3A = math.log %add3A_85 : vector<80x128xf32>
      %get3A_86 = arith.constant 0 : index
      %get3A_87 = arith.constant 0 : index
      %get3A_88 = vector.load %arg5[%get3A_86, %get3A_87] : memref<80x128xf32, #tpu.memory_space<vmem>>, vector<80x128xf32>
      %add3A_89 = arith.addf %log3A, %get3A_88 : vector<80x128xf32>
      %jit3A_90 = arith.constant 0xFF800000 : f32
      %broadcast_in_dim3A_91 = vector.broadcast %jit3A_90 : f32 to vector<80x128xf32>
      %select_n3A_92 = arith.select %lt3A_69, %add3A_89, %broadcast_in_dim3A_91 : vector<80x128xi1>, vector<80x128xf32>
      %reduce_max3A_93 = vector.shape_cast %select_n3A_92 : vector<80x128xf32> to vector<1x80x128xf32>
      %reduce_max3A_94 = arith.constant dense<0xFF800000> : vector<1xf32>
      %reduce_max3A_95 = vector.multi_reduction <maximumf>, %reduce_max3A_93, %reduce_max3A_94 [1, 2] : vector<1x80x128xf32> to vector<1xf32>
      %reduce_max3A_96 = vector.shape_cast %reduce_max3A_95 : vector<1xf32> to vector<1x1x1xf32>
      %reduce_max3A_97 = vector.extract %reduce_max3A_96[0, 0, 0] : f32 from vector<1x1x1xf32>
      %eq3A_98 = vector.broadcast %reduce_max3A_97 : f32 to vector<80x128xf32>
      %eq3A_99 = arith.cmpf oeq, %select_n3A_92, %eq3A_98 : vector<80x128xf32>
      %jit3A_100 = arith.constant 2147483647 : i32
      %broadcast_in_dim3A_101 = vector.broadcast %jit3A_100 : i32 to vector<80x128xi32>
      %select_n3A_102 = arith.select %eq3A_99, %add3A_67, %broadcast_in_dim3A_101 : vector<80x128xi1>, vector<80x128xi32>
      %reduce_min3A = vector.shape_cast %select_n3A_102 : vector<80x128xi32> to vector<1x80x128xi32>
      %reduce_min3A_103 = arith.constant dense<2147483647> : vector<1xi32>
      %reduce_min3A_104 = vector.multi_reduction <minsi>, %reduce_min3A, %reduce_min3A_103 [1, 2] : vector<1x80x128xi32> to vector<1xi32>
      %reduce_min3A_105 = vector.shape_cast %reduce_min3A_104 : vector<1xi32> to vector<1x1x1xi32>
      %reduce_min3A_106 = vector.extract %reduce_min3A_105[0, 0, 0] : i32 from vector<1x1x1xi32>
      %swap3A_107 = arith.constant 0 : index
      %swap3A_108 = arith.constant 0 : index
      %swap3A_109 = memref.load %arg7[%swap3A_107, %swap3A_108] : memref<1x1xi32, #tpu.memory_space<smem>>
      memref.store %reduce_min3A_106, %arg7[%swap3A_107, %swap3A_108] : memref<1x1xi32, #tpu.memory_space<smem>>
      %eq3A_110 = vector.broadcast %reduce_min3A_106 : i32 to vector<80x128xi32>
      %eq3A_111 = arith.cmpi eq, %add3A_67, %eq3A_110 : vector<80x128xi32>
      %jit3A_112 = arith.constant 0.000000e+00 : f32
      %broadcast_in_dim3A_113 = vector.broadcast %jit3A_112 : f32 to vector<80x128xf32>
      %select_n3A_114 = arith.select %eq3A_111, %div3A_82, %broadcast_in_dim3A_113 : vector<80x128xi1>, vector<80x128xf32>
      %reduce_sum3A_115 = vector.shape_cast %select_n3A_114 : vector<80x128xf32> to vector<1x80x128xf32>
      %reduce_sum3A_116 = arith.constant dense<0.000000e+00> : vector<1xf32>
      %reduce_sum3A_117 = vector.multi_reduction <add>, %reduce_sum3A_115, %reduce_sum3A_116 [1, 2] : vector<1x80x128xf32> to vector<1xf32>
      %reduce_sum3A_118 = vector.shape_cast %reduce_sum3A_117 : vector<1xf32> to vector<1x1x1xf32>
      %reduce_sum3A_119 = vector.extract %reduce_sum3A_118[0, 0, 0] : f32 from vector<1x1x1xf32>
      %log3A_120 = math.log %reduce_sum3A_119 : f32
      %swap3A_121 = arith.constant 0 : index
      %swap3A_122 = arith.constant 0 : index
      %swap3A_123 = memref.load %arg8[%swap3A_121, %swap3A_122] : memref<1x1xf32, #tpu.memory_space<smem>>
      memref.store %log3A_120, %arg8[%swap3A_121, %swap3A_122] : memref<1x1xf32, #tpu.memory_space<smem>>
    } else {
    }
    return
  }
  func.func @transform_0(%arg0: i32) -> (i32, i32, i32) {
    %c0_i32 = arith.constant 0 : i32
    %c0_i32_0 = arith.constant 0 : i32
    %c0_i32_1 = arith.constant 0 : i32
    return %c0_i32, %arg0, %c0_i32_0 : i32, i32, i32
  }
  func.func @transform_1(%arg0: i32) -> (i32, i32, i32) {
    %c0_i32 = arith.constant 0 : i32
    %c0_i32_0 = arith.constant 0 : i32
    %c0_i32_1 = arith.constant 0 : i32
    return %c0_i32, %arg0, %c0_i32_0 : i32, i32, i32
  }
  func.func @transform_2(%arg0: i32) -> (i32, i32) {
    %c0_i32 = arith.constant 0 : i32
    %c0_i32_0 = arith.constant 0 : i32
    %c0_i32_1 = arith.constant 0 : i32
    return %c0_i32, %c0_i32_0 : i32, i32
  }
  func.func @transform_3(%arg0: i32) -> (i32, i32) {
    %c0_i32 = arith.constant 0 : i32
    %c0_i32_0 = arith.constant 0 : i32
    %c0_i32_1 = arith.constant 0 : i32
    return %c0_i32, %c0_i32_0 : i32, i32
  }
  func.func @transform_4(%arg0: i32) -> (i32, i32) {
    %c0_i32 = arith.constant 0 : i32
    %c0_i32_0 = arith.constant 0 : i32
    %c0_i32_1 = arith.constant 0 : i32
    return %c0_i32, %c0_i32_0 : i32, i32
  }
  func.func @transform_5(%arg0: i32) -> (i32, i32) {
    %c0_i32 = arith.constant 0 : i32
    %c0_i32_0 = arith.constant 0 : i32
    return %arg0, %c0_i32 : i32, i32
  }
  func.func @transform_6(%arg0: i32) -> (i32, i32) {
    %c0_i32 = arith.constant 0 : i32
    %c0_i32_0 = arith.constant 0 : i32
    %c0_i32_1 = arith.constant 0 : i32
    return %c0_i32, %c0_i32_0 : i32, i32
  }
  func.func @transform_7(%arg0: i32) -> (i32, i32) {
    %c0_i32 = arith.constant 0 : i32
    %c0_i32_0 = arith.constant 0 : i32
    %c0_i32_1 = arith.constant 0 : i32
    return %c0_i32, %c0_i32_0 : i32, i32
  }
}

</mosaic_0001>

<sc_bundles>
// kernel: kernel.5.cloned.1.call-start
scs
__scs_entry_jumppad:
0x0: {  	(pc) =	sbr.rel $0x88, $3  }
0x1: {  	(tag) =	ssettag $0x0;
	lr =	simm.s32 $0x1  }
0x2: {  	[smem:$0x3F9B] =	sst lr;
	_ =	strace $0xD0000000  }
0x3: {  	_ = 	snop  }
0x4: {  	_ = 	snop  }
0x5: {  	_ = 	snop  }
0x6: {  	_ = 	snop  }
0x7: {  	_ = 	snop  }
__scs_overlays_trampoline_lowered:
0x8: {  	[smem:$0x3FAA] =	sst s0  }
0x9: {  	[smem:$0x3FAB] =	sst s1  }
0xa: {  	[smem:$0x3FAC] =	sst s2  }
0xb: {  	[smem:$0x3FAD] =	sst s3  }
0xc: {  	[smem:$0x3FAE] =	sst s4  }
0xd: {  	[smem:$0x3FAF] =	sst s5  }
0xe: {  	[smem:$0x3FB0] =	sst s6  }
0xf: {  	[smem:$0x3FB1] =	sst s7  }
0x10: {  	[smem:$0x3FB2] =	sst s8  }
0x11: {  	[smem:$0x3FB3] =	sst s9;
	s0 =	simm.s32 @!p0 $0x0  }
0x12: {  	s1 =	sld [smem:$0x3F99];
	s0 =	simm.s32 @p0 $0x1  }
0x13: {  	[smem:$0x3FB4] =	sst s0;
	s0 =	simm.s32 @!p1 $0x0  }
0x14: {  	s2 =	sld [smem:$0x3F98];
	s0 =	simm.s32 @p1 $0x1  }
0x15: {  	[smem:$0x3FB5] =	sst s0;
	s0 =	simm.s32 @!p2 $0x0  }
0x16: {  	s3 =	sld [smem:$0x3FDB];
	s0 =	simm.s32 @p2 $0x1  }
0x17: {  	s4 =	simm.s32 $0x1BF5;
	[smem:$0x3FB7] =	sst s0  }
0x18: {  	s0 =	sld [smem:$0x3F9A];
	_ =	swait.ge [sflag:s4], $0x0  }
0x19: {  	s7 =	sld [smem:$0x3F9B]  }
0x1a: {  	s8 =	sadd.s32 $0xFFFFE003, lr  }
0x1b: {  	s9 =	sadd.s32 $0xFFFFFEF7, lr;
	s5 =	simm.s32 $0xFFFFFFFF;
	p2 =	slt.u32 s8, $0xFFFFF086  }
0x1c: {  	p1 =	slt.u32 s9, $0xF7A;
	s5 =	simm.s32 @!p2 $0x0  }
0x1d: {  	s5 =	simm.s32 @p1 $0x1;
	p0 =	seq.s32 s7, s2  }
0x1e: {  	s7 =	smul.u32 @!p0 $0xF7A, s2;
	p2 =	seq.s32 @!p0 s5, $0x0  }
0x1f: {  	s9 =	smul.u32 $0xF7A, s1;
	s8 =	simm.s32 @!p0 $0x1BF5;
	p2 =	por !p2, p0  }
0x20: {  	[sflag:s8] =	ssyncset.s32 @!p0 $0xFFFFF086;
	s6 =	sadd.s32 @!p0 s3, s7;
	s7 =	simm.s32 @!p0 $0x108  }
0x21: {  	s3 =	sadd.s32 s3, s9;
	s6 =	sadd.s32 @!p0 $0x88, s6;
	s7 =	simm.s32 @p2 $0x1082  }
0x22: {  	[simem:s7], [sflag:s8] =	dma.local @!p0 [hbm:s6], $0xF7A  }
0x23: {  	s9 =	sor.u32 $0xD0000000, s2;
	s6 =	simm.s32 $0x108;
	_ =	swait.ge @!p0 [sflag:s8], $0x0  }
0x24: {  	s3 =	sadd.s32 $0x88, s3;
	s6 =	simm.s32 @!p1 $0x1082;
	[sflag:s4] =	ssyncset.s32 $0xFFFFF086  }
0x25: {  	[simem:s6], [sflag:s4] =	dma.local [hbm:s3], $0xF7A  }
0x26: {  	[smem:$0x3F9B] =	sst s1;
	(tag) =	ssettag s2;
	_ =	strace s9  }
0x27: {  	s1 =	sld [smem:$0x3FAB]  }
0x28: {  	s2 =	sld [smem:$0x3FAC]  }
0x29: {  	s4 =	sld [smem:$0x3FAE]  }
0x2a: {  	p0 =	seq.s32 s5, $0x0;
	s5 =	sld [smem:$0x3FAF]  }
0x2b: {  	s6 =	sld [smem:$0x3FB0]  }
0x2c: {  	s7 =	sld [smem:$0x3FB1]  }
0x2d: {  	s3 =	simm.s32 $0x108;
	s8 =	sld [smem:$0x3FB2]  }
0x2e: {  	s3 =	simm.s32 @!p0 $0x1082;
	s9 =	sld [smem:$0x3FB3]  }
0x2f: {  	lr =	sadd.s32 s0, s3;
	s0 =	sld [smem:$0x3FAA]  }
0x30: {  	s3 =	sld [smem:$0x3FAD]  }
0x31: {  	[smem:$0x3FB6] =	sst s10  }
0x32: {  	s10 =	sld [smem:$0x3FB4];
	_ =	sdelay $0x3  }
0x33: {  	p0 =	seq.s32 s10, $0x1;
	s10 =	sld [smem:$0x3FB6];
	_ =	sdelay $0x3  }
0x34: {  	[smem:$0x3FB6] =	sst s10  }
0x35: {  	s10 =	sld [smem:$0x3FB5];
	_ =	sdelay $0x3  }
0x36: {  	p1 =	seq.s32 s10, $0x1;
	s10 =	sld [smem:$0x3FB6];
	_ =	sdelay $0x3  }
0x37: {  	[smem:$0x3FB6] =	sst s10  }
0x38: {  	s10 =	sld [smem:$0x3FB7]  }
0x39: {  	_ = 	snop;
	(pc) =	sbr.ind lr, $3  }
0x3a: {  	_ = 	snop  }
0x3b: {  	_ = 	snop  }
0x3c: {  	p2 =	seq.s32 s10, $0x1;
	s10 =	sld [smem:$0x3FB6]  }
0x3d: {  	_ =	shalt  }
0x3e: {  	_ =	shalt  }
0x3f: {  	_ =	shalt  }
0x40: {  	_ =	shalt  }
0x41: {  	_ =	shalt  }
0x42: {  	_ =	shalt  }
0x43: {  	_ =	shalt  }
0x44: {  	_ =	shalt  }
0x45: {  	_ =	shalt  }
0x46: {  	_ =	shalt  }
0x47: {  	_ =	shalt  }
0x48: {  	_ =	shalt  }
0x49: {  	_ =	shalt  }
0x4a: {  	_ =	shalt  }
0x4b: {  	_ =	shalt  }
0x4c: {  	_ =	shalt  }
0x4d: {  	_ =	shalt  }
0x4e: {  	_ =	shalt  }
0x4f: {  	_ =	shalt  }
0x50: {  	_ =	shalt  }
0x51: {  	_ =	shalt  }
0x52: {  	_ =	shalt  }
0x53: {  	_ =	shalt  }
0x54: {  	_ =	shalt  }
0x55: {  	_ =	shalt  }
0x56: {  	_ =	shalt  }
0x57: {  	_ =	shalt  }
0x58: {  	_ =	shalt  }
0x59: {  	_ =	shalt  }
0x5a: {  	_ =	shalt  }
0x5b: {  	_ =	shalt  }
0x5c: {  	_ =	shalt  }
0x5d: {  	_ =	shalt  }
0x5e: {  	_ =	shalt  }
0x5f: {  	_ =	shalt  }
0x60: {  	_ =	shalt  }
0x61: {  	_ =	shalt  }
0x62: {  	_ =	shalt  }
0x63: {  	_ =	shalt  }
0x64: {  	_ =	shalt  }
0x65: {  	_ =	shalt  }
0x66: {  	_ =	shalt  }
0x67: {  	_ =	shalt  }
0x68: {  	_ =	shalt  }
0x69: {  	_ =	shalt  }
0x6a: {  	_ =	shalt  }
0x6b: {  	_ =	shalt  }
0x6c: {  	_ =	shalt  }
0x6d: {  	_ =	shalt  }
0x6e: {  	_ =	shalt  }
0x6f: {  	_ =	shalt  }
0x70: {  	_ =	shalt  }
0x71: {  	_ =	shalt  }
0x72: {  	_ =	shalt  }
0x73: {  	_ =	shalt  }
0x74: {  	_ =	shalt  }
0x75: {  	_ =	shalt  }
0x76: {  	_ =	shalt  }
0x77: {  	_ =	shalt  }
0x78: {  	_ =	shalt  }
0x79: {  	_ =	shalt  }
0x7a: {  	_ =	shalt  }
0x7b: {  	_ =	shalt  }
0x7c: {  	_ =	shalt  }
0x7d: {  	_ =	shalt  }
0x7e: {  	_ =	shalt  }
0x7f: {  	_ =	shalt  }
0x80: {  	_ =	shalt  }
0x81: {  	_ =	shalt  }
0x82: {  	_ =	shalt  }
0x83: {  	_ =	shalt  }
0x84: {  	_ =	shalt  }
0x85: {  	_ =	shalt  }
0x86: {  	_ =	shalt  }
0x87: {  	_ =	shalt  }
.Lfunc_end0:
.L_simem_size_0:
called_computation_lowered:
.L_overlay_start_0:
0x88: {  	s2 =	sld [smem:$0x3FD9]  }
0x89: {  	s3 =	sld [smem:$0x3FFE];
	_ =	sdelay $0x1  }
0x8a: {  	s1 =	srdreg.scid  }
0x8b: {  	s0 =	sand.u32 $0x1, s1  }
0x8c: {  	s16 =	sshll.u32 s0, $0xA;
	s2 =	sadd.s32 s3, s2  }
0x8d: {  	s2 =	sadd.s32 s2, s16  }
0x8e: {  	[smem:$0x3FC2] =	sst s2  }
0x8f: {  	_ = 	snop  }
0x90: {  	(tm) =	ssettm $0x1  }
0x91: {  	s17 =	sld [smem:$0x3FFB];
	_ =	sdelay $0x3  }
0x92: {  	_ =	strace s17  }
0x93: {  	s2 =	sld [smem:$0x3FFC];
	_ =	sdelay $0x3  }
0x94: {  	_ =	strace s2  }
0x95: {  	s2 =	sld [smem:$0x3FFD];
	_ =	sdelay $0x3  }
0x96: {  	_ =	strace s2  }
0x97: {  	_ =	strace $0x8FFFFFFF  }
0x98: {  	s18 =	sld [smem:$0x3FDB];
	_ =	sdelay $0x1  }
0x99: {  	s19 =	simm.s32 $_scs_section_size  }
0x9a: {  	s4 =	simm.s32 $_size__tile_overlayer_lowered;
	s5 =	simm.s32 $_tile_overlayer_lowered  }
0x9b: {  	s22 =	simm.s32 $0x1BFF;
	s21 =	sshll.u32 s5, $0x1;
	s2 =	sadd.s32 s19, s18  }
0x9c: {  	s6 =	simm.s32 $0x0;
	s20 =	sshll.u32 s4, $0x1;
	s4 =	sadd.s32 s21, s2  }
0x9d: {  	[timem:s6], [sflag:s22] =	dma.local [hbm:s4], s20  }
0x9e: {  	_ =	swait.ge [sflag:s22], s20  }
0x9f: {  	s3 =	ssub.s32 $0x0, s20;
	[sflag:s22] =	ssyncset.done $0x0  }
0xa0: {  	[sflag:s22] =	ssyncadd.s32 s3;
	_ =	sdelay $0x1  }
0xa1: {  	s23 =	simm.s32 $0x1B8B  }
0xa2: {  	_ =	swait.ge [sflag:s23], $0x1  }
0xa3: {  	[sflag:s23] =	ssyncset.done $0x0  }
0xa4: {  	s25 =	simm.s32 $0x1B8E;
	s24 =	sld [smem:$0x3FFE];
	[sflag:s23] =	ssyncadd.s32 $0xFFFFFFFF  }
0xa5: {  	s26 =	simm.s32 $execute0_lowered;
	[smem:$0x3FD2] =	sst s25  }
0xa6: {  	s4 =	sshll.u32 s26, $0x1;
	_ =	strace $0x80000046;
	[dreg:$0x1] =	wrdreg $0xFFFFFFFF  }
0xa7: {  	s28 =	simm.s32 $_size_execute0_lowered;
	s2 =	sadd.s32 s2, s4;
	[dreg:$0x0] =	wrdreg $0x0  }
0xa8: {  	s4 =	sshll.u32 s28, $0x1;
	[dreg:$0x2] =	wrdreg s2  }
0xa9: {  	[dreg:$0x3] =	wrdreg s4  }
0xaa: {  	[dreg:$0x4] =	wrdreg $0xC0  }
0xab: {  	_ =	task [dreg:s6], $0x5FFFF  }
0xac: {  	[dreg:$0x1] =	wrdreg $0xFFFFFFFF  }
0xad: {  	[dreg:$0x0] =	wrdreg $0x60  }
0xae: {  	[dreg:$0x2] =	wrdreg s24  }
0xaf: {  	[dreg:$0x3] =	wrdreg $0x90000  }
0xb0: {  	[dreg:$0x4] =	wrdreg $0x9  }
0xb1: {  	_ =	task.clear_ibuf [dreg:s6], $0x5FFFF;
	_ =	strace $0x90000046  }
0xb2: {  	s29 =	simm.s32 $0x9;
	_ =	strace $0x80000048  }
0xb3: {  	_ =	swait.ge [sflag:s29], $0x1  }
0xb4: {  	[sflag:s29] =	ssyncadd.s32 $0xFFFFFFFF  }
0xb5: {  	_ =	strace $0x90000048  }
0xb6: {  	_ =	sfence  }
0xb7: {  	s30 =	sld [smem:$0x0];
	_ =	sdelay $0x2  }
0xb8: {  	s31 =	sshll.u32 s1, $0xD;
	s1 =	sshrl.u32 s1, $0x2  }
0xb9: {  	s3 =	sand.u32 $0x4000, s31;
	s1 =	sadd.s32 s1, s30  }
0xba: {  	s0 =	sor.u32 s3, s0;
	s1 =	sshll.u32 s1, $0x11  }
0xbb: {  	s0 =	sor.u32 s1, s0  }
0xbc: {  	s0 =	sadd.s32 $0x8F2B, s0  }
0xbd: {  	[sflag:s0] =	ssyncadd.remote.s32 $0x1  }
0xbe: {  	_ =	sfence.sel $0xFFFF  }
0xbf: {  	[dreg:$0x0] =	wrdreg $0xFFFFFFFF;
	(pc) =	sbr.abs _section_cstart, $3  }
0xc0: {  	[dreg:$0x1] =	wrdreg $0xFFFFFFFF  }
0xc1: {  	_ =	task.clear_ibuf [dreg:s6], $0x2FFFF;
	_ =	strace $0x9FFFFFFF  }
0xc2: {  	(tm) =	ssettm $0x7FFFFFFF  }
0xc3: {  	_ =	shalt  }
tec
execute0_lowered:
.L_overlay_start_1:
0x0: {  	(tag) =	ssettag $0x1  }
0x1: {  	s5 =	rddreg [dreg:$0x0]  }
0x2: {  	s2 =	rddreg [dreg:$0x1]  }
0x3: {  	s0 =	rddreg [dreg:$0x2];
	s3 =	simm.s32 $0x0  }
0x4: {  	s1 =	stileid.u32;
	s6 =	srdreg.scid;
	s17 =	simm.s32 $0x5000  }
0x5: {  	s18 =	simm.s32 $0x1;
	s19 =	simm.s32 $0x0;
	s4 =	smul.u32 $0x500, s1  }
0x6: {  	[smem:$0x7FF] =	sst s3;
	s7 =	sand.u32 $0x1, s6;
	s11 =	smul.u32 $0x50000, s1  }
0x7: {  	s9 =	sadd.s32 $0xA600, s5;
	s12 =	sadd.s32 $0xACE00, s5;
	s25 =	smul.u32 $0x14000, s1  }
0x8: {  	s31 =	sshll.u32 s1, $0x6;
	_ =	strace $0x80000047;
	s26 =	smul.u32 $0x280000, s7  }
0x9: {  	s8 =	ssub.s32 $0x2, s7;
	s14 =	sshllo.u32 s7, $0x1;
	s7 =	smul.u32 $0x50000, s7  }
0xa: {  	s24 =	sadd.s32 s4, s5;
	s4 =	sadd.s32 $0xAA600, s5;
	s15 =	smul.u32 $0x140000, s14  }
0xb: {  	s10 =	sshrl.u32 s8, $0x1;
	s11 =	sshrl.u32 s11, $0x2;
	s28 =	smul.u32 $0x28000, s14  }
0xc: {  	s14 =	sor.u32 $0x1C02, s31;
	s13 =	ssub.s32 s8, s10;
	s5 =	sadd.s32 $0x5600, s24  }
0xd: {  	s6 =	sadd.s32 $0x600, s24;
	s16 =	sadd.s32 s11, s2;
	s10 =	sadd.s32 s25, s26  }
0xe: {  	s7 =	sadd.s32 s9, s7;
	s10 =	sshrl.u32 s10, $0x3;
	s29 =	sadd.s32 s25, s15  }
0xf: {  	s9 =	sadd.s32 s9, s28;
	s11 =	smax.u32 s13, $0x1;
	s13 =	simm.s32 $0x2800  }
0x10: {  	s15 =	sshrl.u32 s16, $0x3;
	s16 =	simm.s32 $0x80;
	s30 =	sshrl.u32 s29, $0x3  }
0x11: {  	s8 =	sadd.s32 s12, s10;
	s10 =	sadd.s32 s12, s30;
	s12 =	simm.s32 $0x2  }
.LBB2_1:
0x12: {  	[tilespmem:s3], [sflag:$0x2] =	stream.linear.gather [hbm4b:s5+s3], $0x2780, $0x38;
	[tilespmem:$0x1D000] =	vst v63  }
0x13: {  	_ =	swait.ge [sflag:s12], $0x2780  }
0x14: {  	[sflag:s12] =	ssyncset.done $0x0  }
0x15: {  	[sflag:s12] =	ssyncadd.s32 $0xFFFFD880  }
0x16: {  	[tilespmem:s13], [sflag:$0x2] =	stream.linear.gather [hbm4b:s6+s3], $0x2780, $0x38;
	[tilespmem:$0x1D000] =	vst v63  }
0x17: {  	_ =	swait.ge [sflag:s12], $0x2780  }
0x18: {  	[sflag:s12] =	ssyncset.done $0x0  }
0x19: {  	[sflag:s12] =	ssyncadd.s32 $0xFFFFD880  }
0x1a: {  	[spmem:s15], [sflag:s14] =	dma.local [hbm:s4], $0x2800  }
0x1b: {  	_ =	swait.ge [sflag:s12], $0x2800  }
0x1c: {  	[sflag:s12] =	ssyncset.done $0x0  }
0x1d: {  	[sflag:s12] =	ssyncadd.s32 $0xFFFFD800  }
0x1e: {  	s20 =	simm.s32 $0x0;
	[bflag:$0x0] =	sbarrier.arrive $0xFFFF  }
0x1f: {  	[tilespmem:s17], [sflag:$0x1] =	stream.indirect.gather [hbm4b:s7+s16], $0x80, s20, s16, $0xb8;
	[tilespmem:$0x1D000] =	vst v63  }
0x20: {  	_ =	swait.ge [sflag:s18], $0x4000  }
0x21: {  	[sflag:s18] =	ssyncset.done $0x0  }
0x22: {  	s31 =	simm.s32 $0x2800;
	[sflag:s18] =	ssyncadd.s32 $0xFFFFC000  }
0x23: {  	[spmem:s2] =	stream.indirect.scatter.add.f32 [tilespmem:s17], [sflag:$0x2], $0x80, s31, s16, $0xb8;
	[tilespmem:$0x1D000] =	vst v63  }
0x24: {  	_ =	swait.ge [sflag:s12], $0x4000  }
0x25: {  	s21 =	simm.s32 $0x400;
	s20 =	simm.s32 $0x200;
	[sflag:s12] =	ssyncset.done $0x0  }
.LBB2_2:
0x26: {  	s22 =	sshra.s32 s20, $0x2  }
0x27: {  	[sflag:s12] =	ssyncadd.s32 $0xFFFFC000;
	s20 =	smov.u32 s21;
	s23 =	sadd.s32 $0x200, s21  }
0x28: {  	[tilespmem:s17], [sflag:$0x1] =	stream.indirect.gather [hbm4b:s7+s16], $0x80, s22, s16, $0xb8;
	[tilespmem:$0x1D000] =	vst v63  }
0x29: {  	p0 =	sne.s32 s21, $0x9C00;
	_ =	swait.ge [sflag:s18], $0x4000  }
.Ltmp0:
0x2a: {  	[sflag:s18] =	ssyncset.done $0x0;
	(pc) =	sbr.rel @p0 .LBB2_2-.Ltmp0, $4  }
0x2b: {  	s21 =	sadd.s32 $0x2800, s22;
	[sflag:s18] =	ssyncadd.s32 $0xFFFFC000  }
0x2c: {  	[spmem:s2] =	stream.indirect.scatter.add.f32 [tilespmem:s17], [sflag:$0x2], $0x80, s21, s16, $0xb8;
	[tilespmem:$0x1D000] =	vst v63  }
0x2d: {  	_ =	swait.ge [sflag:s12], $0x4000  }
0x2e: {  	s21 =	smov.u32 s23;
	[sflag:s12] =	ssyncset.done $0x0  }
0x2f: {  	s20 =	sshra.s32 s20, $0x2;
	[sflag:s12] =	ssyncadd.s32 $0xFFFFC000  }
0x30: {  	[tilespmem:s17], [sflag:$0x1] =	stream.indirect.gather [hbm4b:s7+s16], $0x80, s20, s16, $0xb8;
	[tilespmem:$0x1D000] =	vst v63  }
0x31: {  	_ =	swait.ge [sflag:s18], $0x4000  }
0x32: {  	[sflag:s18] =	ssyncset.done $0x0  }
0x33: {  	s20 =	sadd.s32 $0x2800, s20;
	[sflag:s18] =	ssyncadd.s32 $0xFFFFC000  }
0x34: {  	[spmem:s2] =	stream.indirect.scatter.add.f32 [tilespmem:s17], [sflag:$0x2], $0x80, s20, s16, $0xb8;
	[tilespmem:$0x1D000] =	vst v63  }
0x35: {  	_ =	swait.ge [sflag:s12], $0x4000  }
0x36: {  	[sflag:s12] =	ssyncset.done $0x0  }
0x37: {  	[sflag:s12] =	ssyncadd.s32 $0xFFFFC000  }
0x38: {  	[bflag:$0x0] =	sbarrier.arrive $0xFFFF  }
0x39: {  	[hbm:s8], [sflag:s14] =	dma.local [spmem:s15], $0x2800  }
0x3a: {  	_ =	swait.ge [sflag:s12], $0x2800  }
0x3b: {  	[sflag:s12] =	ssyncset.done $0x0  }
0x3c: {  	[sflag:s12] =	ssyncadd.s32 $0xFFFFD800  }
0x3d: {  	[bflag:$0x0] =	sbarrier.arrive $0xFFFF  }
0x3e: {  	[spmem:s15], [sflag:s14] =	dma.local [hbm:s4], $0x2800  }
0x3f: {  	_ =	swait.ge [sflag:s12], $0x2800  }
0x40: {  	[sflag:s12] =	ssyncset.done $0x0  }
0x41: {  	[sflag:s12] =	ssyncadd.s32 $0xFFFFD800  }
0x42: {  	s30 =	simm.s32 $0x0;
	[bflag:$0x0] =	sbarrier.arrive $0xFFFF  }
0x43: {  	[tilespmem:s17], [sflag:$0x1] =	stream.indirect.gather [hbm4b:s9+s16], $0x80, s30, s16, $0xb8;
	[tilespmem:$0x1D000] =	vst v63  }
0x44: {  	_ =	swait.ge [sflag:s18], $0x4000  }
0x45: {  	[sflag:s18] =	ssyncset.done $0x0  }
0x46: {  	s31 =	simm.s32 $0x2800;
	[sflag:s18] =	ssyncadd.s32 $0xFFFFC000  }
0x47: {  	[spmem:s2] =	stream.indirect.scatter.add.f32 [tilespmem:s17], [sflag:$0x2], $0x80, s31, s16, $0xb8;
	[tilespmem:$0x1D000] =	vst v63  }
0x48: {  	_ =	swait.ge [sflag:s12], $0x4000  }
0x49: {  	s21 =	simm.s32 $0x400;
	s20 =	simm.s32 $0x200;
	[sflag:s12] =	ssyncset.done $0x0  }
.LBB2_4:
0x4a: {  	s22 =	sshra.s32 s20, $0x2  }
0x4b: {  	[sflag:s12] =	ssyncadd.s32 $0xFFFFC000;
	s20 =	smov.u32 s21;
	s23 =	sadd.s32 $0x200, s21  }
0x4c: {  	[tilespmem:s17], [sflag:$0x1] =	stream.indirect.gather [hbm4b:s9+s16], $0x80, s22, s16, $0xb8;
	[tilespmem:$0x1D000] =	vst v63  }
0x4d: {  	p0 =	sne.s32 s21, $0x9C00;
	_ =	swait.ge [sflag:s18], $0x4000  }
.Ltmp1:
0x4e: {  	[sflag:s18] =	ssyncset.done $0x0;
	(pc) =	sbr.rel @p0 .LBB2_4-.Ltmp1, $4  }
0x4f: {  	s21 =	sadd.s32 $0x2800, s22;
	[sflag:s18] =	ssyncadd.s32 $0xFFFFC000  }
0x50: {  	[spmem:s2] =	stream.indirect.scatter.add.f32 [tilespmem:s17], [sflag:$0x2], $0x80, s21, s16, $0xb8;
	[tilespmem:$0x1D000] =	vst v63  }
0x51: {  	_ =	swait.ge [sflag:s12], $0x4000  }
0x52: {  	s21 =	smov.u32 s23;
	[sflag:s12] =	ssyncset.done $0x0  }
0x53: {  	s20 =	sshra.s32 s20, $0x2;
	[sflag:s12] =	ssyncadd.s32 $0xFFFFC000  }
0x54: {  	[tilespmem:s17], [sflag:$0x1] =	stream.indirect.gather [hbm4b:s9+s16], $0x80, s20, s16, $0xb8;
	[tilespmem:$0x1D000] =	vst v63  }
0x55: {  	_ =	swait.ge [sflag:s18], $0x4000  }
0x56: {  	[sflag:s18] =	ssyncset.done $0x0  }
0x57: {  	s20 =	sadd.s32 $0x2800, s20;
	[sflag:s18] =	ssyncadd.s32 $0xFFFFC000  }
0x58: {  	[spmem:s2] =	stream.indirect.scatter.add.f32 [tilespmem:s17], [sflag:$0x2], $0x80, s20, s16, $0xb8;
	[tilespmem:$0x1D000] =	vst v63  }
0x59: {  	_ =	swait.ge [sflag:s12], $0x4000  }
0x5a: {  	[sflag:s12] =	ssyncset.done $0x0  }
0x5b: {  	s19 =	sadd.s32 $0x1, s19;
	[sflag:s12] =	ssyncadd.s32 $0xFFFFC000  }
0x5c: {  	p0 =	sne.s32 s19, s11;
	[bflag:$0x0] =	sbarrier.arrive $0xFFFF  }
0x5d: {  	[hbm:s10], [sflag:s14] =	dma.local [spmem:s15], $0x2800  }
.Ltmp2:
0x5e: {  	_ =	swait.ge [sflag:s12], $0x2800;
	(pc) =	sbr.rel @p0 .LBB2_1-.Ltmp2, $3  }
0x5f: {  	[sflag:s12] =	ssyncset.done $0x0  }
0x60: {  	[sflag:s12] =	ssyncadd.s32 $0xFFFFD800  }
0x61: {  	[bflag:$0x0] =	sbarrier.arrive $0xFFFF;
	_ =	sdelay $0x1  }
0x62: {  	_ =	sfence.sel $0x180000  }
0x63: {  	[bflag:$0x0] =	sbarrier.arrive $0xFFFF  }
0x64: {  	p0 =	sne.s32 s1, $0x0;
	_ =	strace $0x90000047  }
0x65: {  	s0 =	sadd.s32 @!p0 $0x100000, s0;
	[bflag:$0x2] =	sbarrier.arrive $0xFFFF  }
0x66: {  	[sflag:s0] =	ssyncadd.tile.s32 @!p0 $0x1;
	_ =	shalt  }
.Lfunc_end2:
_tile_overlayer_lowered:
.L_overlay_start_2:
0x67: {  	(tag) =	ssettag $0x2  }
0x68: {  	s0 =	rddreg [dreg:$0x0];
	s2 =	stileid.u32  }
0x69: {  	s1 =	rddreg [dreg:$0x1];
	p0 =	sne.s32 s2, $0x0  }
0x6a: {  	s3 =	rddreg [dreg:$0x2];
	[bflag:$0x3] =	sbarrier.arrive $0xFFFF;
	s2 =	simm.s32 @!p0 $0x1C02  }
0x6b: {  	[timem:s3], [sflag:s2] =	dma.local @!p0 [hbm:s0], s1  }
0x6c: {  	s0 =	simm.s32 @!p0 $0x2  }
0x6d: {  	_ =	swait.ge @!p0 [sflag:s0], s1  }
0x6e: {  	s1 =	ssub.s32 @!p0 $0x0, s1;
	[sflag:s0] =	ssyncset.done @!p0 $0x0  }
0x6f: {  	[sflag:s0] =	ssyncadd.s32 @!p0 s1  }
0x70: {  	[bflag:$0x3] =	sbarrier.arrive $0xFFFF  }
0x71: {  	_ =	shalt  }

</sc_bundles>
